<compile_context>
chip_gen: v7x
topology: tpu7x:2x2x1
jax: 0.10.2.dev20260603
libtpu: 0.0.44.dev20260713+nightly
codegen_flags: <defaults>
</compile_context>

<pallas_src>
import functools

import jax
import jax.numpy as jnp
from jax import lax
from jax.experimental import pallas as pl
from jax.experimental.pallas import tpu as pltpu
from jax.experimental.pallas import tpu_sc as plsc

NUM_OPS = 128
ROWS, COLS = 200, 16384
NC, NS, L = 2, 16, 16
NW = NC * NS
CW = 128
PER_W = COLS // NW
NCH = PER_W // CW

_mesh = plsc.VectorSubcoreMesh(core_axis_name="c", subcore_axis_name="s")


@functools.partial(
    pl.kernel,
    out_type=jax.ShapeDtypeStruct((ROWS, COLS), jnp.int32),
    mesh=_mesh,
    scratch_types=[
        pltpu.VMEM((NUM_OPS,), jnp.int32),
        pltpu.VMEM((2, ROWS, CW), jnp.int32),
        pltpu.VMEM((2, ROWS, CW), jnp.int32),
        pltpu.SemaphoreType.DMA((2,)),
        pltpu.SemaphoreType.DMA((2,)),
    ],
    compiler_params=pltpu.CompilerParams(needs_layout_passes=False),
)
def _lookup(op_hbm, table_hbm, out_hbm, table_v, idx_v, out_v,
            in_sems, out_sems):
    wid = lax.axis_index("s") * NC + lax.axis_index("c")
    col0 = wid * PER_W
    table_copy = pltpu.make_async_copy(table_hbm, table_v, out_sems.at[0])
    table_copy.start()

    def in_copy(ci, buf):
        return pltpu.make_async_copy(
            op_hbm.at[:, pl.ds(col0 + ci * CW, CW)],
            idx_v.at[buf], in_sems.at[buf])

    def out_copy(ci, buf):
        return pltpu.make_async_copy(
            out_v.at[buf],
            out_hbm.at[:, pl.ds(col0 + ci * CW, CW)], out_sems.at[buf])

    in_copy(0, 0).start()
    table_copy.wait()

    def step(ci, carry):
        buf = lax.rem(ci, 2)

        @pl.when(ci + 1 < NCH)
        def _():
            in_copy(ci + 1, 1 - buf).start()

        in_copy(ci, buf).wait()

        @pl.when(ci >= 2)
        def _():
            out_copy(ci - 2, buf).wait()

        @plsc.parallel_loop(0, ROWS, step=1, unroll=1)
        def body(r):
            for k in range(CW // L):
                idx = idx_v[buf, r, pl.ds(k * L, L)]
                out_v[buf, r, pl.ds(k * L, L)] = plsc.load_gather(table_v, [idx])

        out_copy(ci, buf).start()
        return carry

    lax.fori_loop(0, NCH, step, 0)
    out_copy(NCH - 2, NCH & 1).wait()
    out_copy(NCH - 1, (NCH - 1) & 1).wait()


def kernel(operation, vocabulary_size):
    out_t = _lookup(operation.T, vocabulary_size)
    return out_t.T

# --- scband reference (transcript-rebuilt; emitter-appended) ---
"""Pipeline reference for scband-vocabulary-size-machine-89111981457909 (READ-ONLY COPY).

The authoritative reference and input builder live on the scoring server;
editing this copy changes nothing except your own understanding.
"""

import jax, jax.numpy as jnp
import numpy as np

NUM_OPERATORS = 128
BATCH = 16384
HIST = 200


def setup_inputs(seed: int = 0) -> dict:
    key = jax.random.key(seed)
    k1, k2 = jax.random.split(key)
    # operation indices: which FSM operator is active at each position
    operation = jax.random.randint(k1, (BATCH, HIST), 0, NUM_OPERATORS, dtype=jnp.int32)
    # vocabulary_size buffer built in __init__/register_operator: one entry per operator.
    # Entries are either 1 (no WriteData action) or the WriteData vocab size.
    vocabulary_size = jax.random.randint(k2, (NUM_OPERATORS,), 1, 50000, dtype=jnp.int32)
    return {"operation": operation, "vocabulary_size": vocabulary_size}


def reference(operation, vocabulary_size):
    # forward: self.vocabulary_size[operation]
    return jnp.take(vocabulary_size, operation, axis=0)

if __name__ == "__main__":
    import jax
    _d = setup_inputs()
    print(jax.jit(kernel)(*tuple(_d.values())))

</pallas_src>

<mosaic_0001>
#map = affine_map<(d0, d1) -> (0, 0)>
#map1 = affine_map<(d0, d1) -> (0)>
module attributes {stable_mosaic.version = 14 : i64} {
  func.func @_lookup(%arg0: i32, %arg1: i32, %arg2: memref<200x16384xi32, #tpu.memory_space<hbm>>, %arg3: memref<128xi32, #tpu.memory_space<hbm>>, %arg4: memref<200x16384xi32, #tpu.memory_space<hbm>>, %arg5: memref<128xi32, #tpu.memory_space<vmem>>, %arg6: memref<2x200x128xi32, #tpu.memory_space<vmem>>, %arg7: memref<2x200x128xi32, #tpu.memory_space<vmem>>, %arg8: memref<2x!tpu.dma_semaphore, #tpu.memory_space<semaphore_mem>>, %arg9: memref<2x!tpu.dma_semaphore, #tpu.memory_space<semaphore_mem>>) attributes {dimension_semantics = [#tpu.dimension_semantics<core_parallel>, #tpu.dimension_semantics<subcore_parallel>], iteration_bounds = array<i64: 2, 16>, scalar_prefetch = 0 : i64, scratch_operands = 5 : i64, tpu.core_type = #tpu.core_type<sc_vector_subcore>, window_params = [{transform_indices = #map}, {transform_indices = #map1}, {transform_indices = #map}]} {
    %mul3A = arith.constant 2 : i32
    %mul3A_0 = arith.muli %arg1, %mul3A : i32
    %add3A = arith.addi %mul3A_0, %arg0 : i32
    %mul3A_1 = arith.constant 512 : i32
    %mul3A_2 = arith.muli %add3A, %mul3A_1 : i32
    %dma_start3A = arith.constant 0 : i32
    %dma_start3A_3 = tpu.memref_slice %arg9[%dma_start3A] : memref<2x!tpu.dma_semaphore, #tpu.memory_space<semaphore_mem>> -> memref<1x!tpu.dma_semaphore, #tpu.memory_space<semaphore_mem>>
    %dma_start3A_4 = tpu.memref_squeeze %dma_start3A_3 : memref<1x!tpu.dma_semaphore, #tpu.memory_space<semaphore_mem>> -> memref<!tpu.dma_semaphore, #tpu.memory_space<semaphore_mem>>
    tpu.enqueue_dma source(%arg3 : memref<128xi32, #tpu.memory_space<hbm>>) target(%arg5 : memref<128xi32, #tpu.memory_space<vmem>>) target_semaphore(%dma_start3A_4 : memref<!tpu.dma_semaphore, #tpu.memory_space<semaphore_mem>>)
    %add3A_5 = arith.constant 0 : i32
    %add3A_6 = arith.addi %mul3A_2, %add3A_5 : i32
    %dma_start3A_7 = arith.constant 0 : i32
    %dma_start3A_8 = arith.constant 0 : i32
    %dma_start3A_9 = arith.constant 0 : i32
    %dma_start3A_10 = arith.constant 0 : i32
    %dma_start3A_11 = tpu.memref_slice %arg6[%dma_start3A_7, %dma_start3A_9, %dma_start3A_10] : memref<2x200x128xi32, #tpu.memory_space<vmem>> -> memref<1x200x128xi32, #tpu.memory_space<vmem>>
    %dma_start3A_12 = tpu.memref_squeeze %dma_start3A_11 : memref<1x200x128xi32, #tpu.memory_space<vmem>> -> memref<200x128xi32, #tpu.memory_space<vmem>>
    %dma_start3A_13 = arith.constant 0 : i32
    %dma_start3A_14 = tpu.memref_slice %arg2[%dma_start3A_13, %add3A_6] : memref<200x16384xi32, #tpu.memory_space<hbm>> -> memref<200x128xi32, #tpu.memory_space<hbm>>
    %dma_start3A_15 = tpu.memref_slice %arg8[%dma_start3A_8] : memref<2x!tpu.dma_semaphore, #tpu.memory_space<semaphore_mem>> -> memref<1x!tpu.dma_semaphore, #tpu.memory_space<semaphore_mem>>
    %dma_start3A_16 = tpu.memref_squeeze %dma_start3A_15 : memref<1x!tpu.dma_semaphore, #tpu.memory_space<semaphore_mem>> -> memref<!tpu.dma_semaphore, #tpu.memory_space<semaphore_mem>>
    %dma_start3A_17 = arith.constant 0 : i32
    %dma_start3A_18 = arith.constant 0 : i32
    %dma_start3A_19 = tpu.memref_slice %arg6[%dma_start3A_7, %dma_start3A_17, %dma_start3A_18] : memref<2x200x128xi32, #tpu.memory_space<vmem>> -> memref<1x200x128xi32, #tpu.memory_space<vmem>>
    %dma_start3A_20 = tpu.memref_squeeze %dma_start3A_19 : memref<1x200x128xi32, #tpu.memory_space<vmem>> -> memref<200x128xi32, #tpu.memory_space<vmem>>
    %dma_start3A_21 = arith.constant 0 : i32
    %dma_start3A_22 = tpu.memref_slice %arg2[%dma_start3A_21, %add3A_6] : memref<200x16384xi32, #tpu.memory_space<hbm>> -> memref<200x128xi32, #tpu.memory_space<hbm>>
    tpu.enqueue_dma source(%dma_start3A_22 : memref<200x128xi32, #tpu.memory_space<hbm>>) target(%dma_start3A_20 : memref<200x128xi32, #tpu.memory_space<vmem>>) target_semaphore(%dma_start3A_16 : memref<!tpu.dma_semaphore, #tpu.memory_space<semaphore_mem>>)
    %dma_wait3A = arith.constant 0 : i32
    %dma_wait3A_23 = tpu.memref_slice %arg9[%dma_wait3A] : memref<2x!tpu.dma_semaphore, #tpu.memory_space<semaphore_mem>> -> memref<1x!tpu.dma_semaphore, #tpu.memory_space<semaphore_mem>>
    %dma_wait3A_24 = tpu.memref_squeeze %dma_wait3A_23 : memref<1x!tpu.dma_semaphore, #tpu.memory_space<semaphore_mem>> -> memref<!tpu.dma_semaphore, #tpu.memory_space<semaphore_mem>>
    tpu.wait_dma2 semaphore(%dma_wait3A_24 : memref<!tpu.dma_semaphore, #tpu.memory_space<semaphore_mem>>) src(%arg3 : memref<128xi32, #tpu.memory_space<hbm>>) dst(%arg5 : memref<128xi32, #tpu.memory_space<vmem>>)
    %scan3A = arith.constant 0 : i32
    %scan3A_25 = arith.constant 0 : i32
    %scan3A_26 = arith.constant 4 : i32
    %scan3A_27 = arith.addi %scan3A_25, %scan3A_26 : i32
    %scan3A_28 = arith.constant 1 : i32
    scf.for %scan3A_66 = %scan3A_25 to %scan3A_27 step %scan3A_28  : i32 {
      %rem3A = arith.constant 2 : i32
      %rem3A_67 = arith.remsi %scan3A_66, %rem3A : i32
      %add3A_68 = arith.constant 1 : i32
      %add3A_69 = arith.addi %scan3A_66, %add3A_68 : i32
      %lt3A = arith.constant 4 : i32
      %lt3A_70 = arith.cmpi slt, %add3A_69, %lt3A : i32
      %convert_element_type3A = arith.extui %lt3A_70 : i1 to i32
      %cond3A = arith.constant 0 : i32
      %cond3A_71 = arith.cmpi ne, %convert_element_type3A, %cond3A : i32
      scf.if %cond3A_71 {
        %add3A_112 = arith.constant 1 : i32
        %add3A_113 = arith.addi %scan3A_66, %add3A_112 : i32
        %sub3A = arith.constant 1 : i32
        %sub3A_114 = arith.subi %sub3A, %rem3A_67 : i32
        %mul3A_115 = arith.constant 128 : i32
        %mul3A_116 = arith.muli %add3A_113, %mul3A_115 : i32
        %add3A_117 = arith.addi %mul3A_2, %mul3A_116 : i32
        %dma_start3A_118 = arith.constant 0 : i32
        %dma_start3A_119 = arith.constant 0 : i32
        %dma_start3A_120 = tpu.memref_slice %arg6[%sub3A_114, %dma_start3A_118, %dma_start3A_119] : memref<2x200x128xi32, #tpu.memory_space<vmem>> -> memref<1x200x128xi32, #tpu.memory_space<vmem>>
        %dma_start3A_121 = tpu.memref_squeeze %dma_start3A_120 : memref<1x200x128xi32, #tpu.memory_space<vmem>> -> memref<200x128xi32, #tpu.memory_space<vmem>>
        %dma_start3A_122 = arith.constant 0 : i32
        %dma_start3A_123 = tpu.memref_slice %arg2[%dma_start3A_122, %add3A_117] : memref<200x16384xi32, #tpu.memory_space<hbm>> -> memref<200x128xi32, #tpu.memory_space<hbm>>
        %dma_start3A_124 = tpu.memref_slice %arg8[%sub3A_114] : memref<2x!tpu.dma_semaphore, #tpu.memory_space<semaphore_mem>> -> memref<1x!tpu.dma_semaphore, #tpu.memory_space<semaphore_mem>>
        %dma_start3A_125 = tpu.memref_squeeze %dma_start3A_124 : memref<1x!tpu.dma_semaphore, #tpu.memory_space<semaphore_mem>> -> memref<!tpu.dma_semaphore, #tpu.memory_space<semaphore_mem>>
        %dma_start3A_126 = arith.constant 0 : i32
        %dma_start3A_127 = arith.constant 0 : i32
        %dma_start3A_128 = tpu.memref_slice %arg6[%sub3A_114, %dma_start3A_126, %dma_start3A_127] : memref<2x200x128xi32, #tpu.memory_space<vmem>> -> memref<1x200x128xi32, #tpu.memory_space<vmem>>
        %dma_start3A_129 = tpu.memref_squeeze %dma_start3A_128 : memref<1x200x128xi32, #tpu.memory_space<vmem>> -> memref<200x128xi32, #tpu.memory_space<vmem>>
        %dma_start3A_130 = arith.constant 0 : i32
        %dma_start3A_131 = tpu.memref_slice %arg2[%dma_start3A_130, %add3A_117] : memref<200x16384xi32, #tpu.memory_space<hbm>> -> memref<200x128xi32, #tpu.memory_space<hbm>>
        tpu.enqueue_dma source(%dma_start3A_131 : memref<200x128xi32, #tpu.memory_space<hbm>>) target(%dma_start3A_129 : memref<200x128xi32, #tpu.memory_space<vmem>>) target_semaphore(%dma_start3A_125 : memref<!tpu.dma_semaphore, #tpu.memory_space<semaphore_mem>>)
      } else {
      }
      %mul3A_72 = arith.constant 128 : i32
      %mul3A_73 = arith.muli %scan3A_66, %mul3A_72 : i32
      %add3A_74 = arith.addi %mul3A_2, %mul3A_73 : i32
      %dma_wait3A_75 = arith.constant 0 : i32
      %dma_wait3A_76 = arith.constant 0 : i32
      %dma_wait3A_77 = tpu.memref_slice %arg6[%rem3A_67, %dma_wait3A_75, %dma_wait3A_76] : memref<2x200x128xi32, #tpu.memory_space<vmem>> -> memref<1x200x128xi32, #tpu.memory_space<vmem>>
      %dma_wait3A_78 = tpu.memref_squeeze %dma_wait3A_77 : memref<1x200x128xi32, #tpu.memory_space<vmem>> -> memref<200x128xi32, #tpu.memory_space<vmem>>
      %dma_wait3A_79 = arith.constant 0 : i32
      %dma_wait3A_80 = tpu.memref_slice %arg2[%dma_wait3A_79, %add3A_74] : memref<200x16384xi32, #tpu.memory_space<hbm>> -> memref<200x128xi32, #tpu.memory_space<hbm>>
      %dma_wait3A_81 = tpu.memref_slice %arg8[%rem3A_67] : memref<2x!tpu.dma_semaphore, #tpu.memory_space<semaphore_mem>> -> memref<1x!tpu.dma_semaphore, #tpu.memory_space<semaphore_mem>>
      %dma_wait3A_82 = tpu.memref_squeeze %dma_wait3A_81 : memref<1x!tpu.dma_semaphore, #tpu.memory_space<semaphore_mem>> -> memref<!tpu.dma_semaphore, #tpu.memory_space<semaphore_mem>>
      %dma_wait3A_83 = arith.constant 0 : i32
      %dma_wait3A_84 = arith.constant 0 : i32
      %dma_wait3A_85 = tpu.memref_slice %arg6[%rem3A_67, %dma_wait3A_83, %dma_wait3A_84] : memref<2x200x128xi32, #tpu.memory_space<vmem>> -> memref<1x200x128xi32, #tpu.memory_space<vmem>>
      %dma_wait3A_86 = tpu.memref_squeeze %dma_wait3A_85 : memref<1x200x128xi32, #tpu.memory_space<vmem>> -> memref<200x128xi32, #tpu.memory_space<vmem>>
      %dma_wait3A_87 = arith.constant 0 : i32
      %dma_wait3A_88 = tpu.memref_slice %arg2[%dma_wait3A_87, %add3A_74] : memref<200x16384xi32, #tpu.memory_space<hbm>> -> memref<200x128xi32, #tpu.memory_space<hbm>>
      tpu.wait_dma2 semaphore(%dma_wait3A_82 : memref<!tpu.dma_semaphore, #tpu.memory_space<semaphore_mem>>) src(%dma_wait3A_88 : memref<200x128xi32, #tpu.memory_space<hbm>>) dst(%dma_wait3A_86 : memref<200x128xi32, #tpu.memory_space<vmem>>)
      %ge3A = arith.constant 2 : i32
      %ge3A_89 = arith.cmpi sge, %scan3A_66, %ge3A : i32
      %convert_element_type3A_90 = arith.extui %ge3A_89 : i1 to i32
      %cond3A_91 = arith.constant 0 : i32
      %cond3A_92 = arith.cmpi ne, %convert_element_type3A_90, %cond3A_91 : i32
      scf.if %cond3A_92 {
        %sub3A = arith.constant 2 : i32
        %sub3A_112 = arith.subi %scan3A_66, %sub3A : i32
        %mul3A_113 = arith.constant 128 : i32
        %mul3A_114 = arith.muli %sub3A_112, %mul3A_113 : i32
        %add3A_115 = arith.addi %mul3A_2, %mul3A_114 : i32
        %dma_wait3A_116 = arith.constant 0 : i32
        %dma_wait3A_117 = arith.constant 0 : i32
        %dma_wait3A_118 = tpu.memref_slice %arg7[%rem3A_67, %dma_wait3A_116, %dma_wait3A_117] : memref<2x200x128xi32, #tpu.memory_space<vmem>> -> memref<1x200x128xi32, #tpu.memory_space<vmem>>
        %dma_wait3A_119 = tpu.memref_squeeze %dma_wait3A_118 : memref<1x200x128xi32, #tpu.memory_space<vmem>> -> memref<200x128xi32, #tpu.memory_space<vmem>>
        %dma_wait3A_120 = arith.constant 0 : i32
        %dma_wait3A_121 = tpu.memref_slice %arg4[%dma_wait3A_120, %add3A_115] : memref<200x16384xi32, #tpu.memory_space<hbm>> -> memref<200x128xi32, #tpu.memory_space<hbm>>
        %dma_wait3A_122 = tpu.memref_slice %arg9[%rem3A_67] : memref<2x!tpu.dma_semaphore, #tpu.memory_space<semaphore_mem>> -> memref<1x!tpu.dma_semaphore, #tpu.memory_space<semaphore_mem>>
        %dma_wait3A_123 = tpu.memref_squeeze %dma_wait3A_122 : memref<1x!tpu.dma_semaphore, #tpu.memory_space<semaphore_mem>> -> memref<!tpu.dma_semaphore, #tpu.memory_space<semaphore_mem>>
        %dma_wait3A_124 = arith.constant 0 : i32
        %dma_wait3A_125 = tpu.memref_slice %arg4[%dma_wait3A_124, %add3A_115] : memref<200x16384xi32, #tpu.memory_space<hbm>> -> memref<200x128xi32, #tpu.memory_space<hbm>>
        %dma_wait3A_126 = arith.constant 0 : i32
        %dma_wait3A_127 = arith.constant 0 : i32
        %dma_wait3A_128 = tpu.memref_slice %arg7[%rem3A_67, %dma_wait3A_126, %dma_wait3A_127] : memref<2x200x128xi32, #tpu.memory_space<vmem>> -> memref<1x200x128xi32, #tpu.memory_space<vmem>>
        %dma_wait3A_129 = tpu.memref_squeeze %dma_wait3A_128 : memref<1x200x128xi32, #tpu.memory_space<vmem>> -> memref<200x128xi32, #tpu.memory_space<vmem>>
        tpu.wait_dma2 semaphore(%dma_wait3A_123 : memref<!tpu.dma_semaphore, #tpu.memory_space<semaphore_mem>>) src(%dma_wait3A_129 : memref<200x128xi32, #tpu.memory_space<vmem>>) dst(%dma_wait3A_125 : memref<200x128xi32, #tpu.memory_space<hbm>>)
      } else {
      }
      %parallel_loop3A = arith.constant 0 : i32
      %parallel_loop3A_93 = arith.constant 200 : i32
      %parallel_loop3A_94 = arith.constant 1 : i32
      scf.for %parallel_loop3A_112 = %parallel_loop3A to %parallel_loop3A_93 step %parallel_loop3A_94  : i32 {
        %parallel_loop3A_113 = arith.index_cast %rem3A_67 : i32 to index
        %parallel_loop3A_114 = arith.index_cast %parallel_loop3A_112 : i32 to index
        %parallel_loop3A_115 = arith.constant 0 : index
        %parallel_loop3A_116 = tpu.vector_load %arg6[%parallel_loop3A_113, %parallel_loop3A_114, %parallel_loop3A_115] {strides = array<i32>} : memref<2x200x128xi32, #tpu.memory_space<vmem>>, vector<16xi32>,
        %parallel_loop3A_117 = tpu.vector_load_idx %arg5[%parallel_loop3A_116] : memref<128xi32, #tpu.memory_space<vmem>>[vector<16xi32>], vector<16xi32>,
        %parallel_loop3A_118 = arith.index_cast %rem3A_67 : i32 to index
        %parallel_loop3A_119 = arith.index_cast %parallel_loop3A_112 : i32 to index
        %parallel_loop3A_120 = arith.constant 0 : index
        %parallel_loop3A_121 = tpu.vector_load %arg7[%parallel_loop3A_118, %parallel_loop3A_119, %parallel_loop3A_120] {strides = array<i32>} : memref<2x200x128xi32, #tpu.memory_space<vmem>>, vector<16xi32>,
        tpu.vector_store %arg7[%parallel_loop3A_118, %parallel_loop3A_119, %parallel_loop3A_120], %parallel_loop3A_117 {strides = array<i32>} : memref<2x200x128xi32, #tpu.memory_space<vmem>>, vector<16xi32>,
        %parallel_loop3A_122 = arith.index_cast %rem3A_67 : i32 to index
        %parallel_loop3A_123 = arith.index_cast %parallel_loop3A_112 : i32 to index
        %parallel_loop3A_124 = arith.constant 16 : index
        %parallel_loop3A_125 = tpu.vector_load %arg6[%parallel_loop3A_122, %parallel_loop3A_123, %parallel_loop3A_124] {strides = array<i32>} : memref<2x200x128xi32, #tpu.memory_space<vmem>>, vector<16xi32>,
        %parallel_loop3A_126 = tpu.vector_load_idx %arg5[%parallel_loop3A_125] : memref<128xi32, #tpu.memory_space<vmem>>[vector<16xi32>], vector<16xi32>,
        %parallel_loop3A_127 = arith.index_cast %rem3A_67 : i32 to index
        %parallel_loop3A_128 = arith.index_cast %parallel_loop3A_112 : i32 to index
        %parallel_loop3A_129 = arith.constant 16 : index
        %parallel_loop3A_130 = tpu.vector_load %arg7[%parallel_loop3A_127, %parallel_loop3A_128, %parallel_loop3A_129] {strides = array<i32>} : memref<2x200x128xi32, #tpu.memory_space<vmem>>, vector<16xi32>,
        tpu.vector_store %arg7[%parallel_loop3A_127, %parallel_loop3A_128, %parallel_loop3A_129], %parallel_loop3A_126 {strides = array<i32>} : memref<2x200x128xi32, #tpu.memory_space<vmem>>, vector<16xi32>,
        %parallel_loop3A_131 = arith.index_cast %rem3A_67 : i32 to index
        %parallel_loop3A_132 = arith.index_cast %parallel_loop3A_112 : i32 to index
        %parallel_loop3A_133 = arith.constant 32 : index
        %parallel_loop3A_134 = tpu.vector_load %arg6[%parallel_loop3A_131, %parallel_loop3A_132, %parallel_loop3A_133] {strides = array<i32>} : memref<2x200x128xi32, #tpu.memory_space<vmem>>, vector<16xi32>,
        %parallel_loop3A_135 = tpu.vector_load_idx %arg5[%parallel_loop3A_134] : memref<128xi32, #tpu.memory_space<vmem>>[vector<16xi32>], vector<16xi32>,
        %parallel_loop3A_136 = arith.index_cast %rem3A_67 : i32 to index
        %parallel_loop3A_137 = arith.index_cast %parallel_loop3A_112 : i32 to index
        %parallel_loop3A_138 = arith.constant 32 : index
        %parallel_loop3A_139 = tpu.vector_load %arg7[%parallel_loop3A_136, %parallel_loop3A_137, %parallel_loop3A_138] {strides = array<i32>} : memref<2x200x128xi32, #tpu.memory_space<vmem>>, vector<16xi32>,
        tpu.vector_store %arg7[%parallel_loop3A_136, %parallel_loop3A_137, %parallel_loop3A_138], %parallel_loop3A_135 {strides = array<i32>} : memref<2x200x128xi32, #tpu.memory_space<vmem>>, vector<16xi32>,
        %parallel_loop3A_140 = arith.index_cast %rem3A_67 : i32 to index
        %parallel_loop3A_141 = arith.index_cast %parallel_loop3A_112 : i32 to index
        %parallel_loop3A_142 = arith.constant 48 : index
        %parallel_loop3A_143 = tpu.vector_load %arg6[%parallel_loop3A_140, %parallel_loop3A_141, %parallel_loop3A_142] {strides = array<i32>} : memref<2x200x128xi32, #tpu.memory_space<vmem>>, vector<16xi32>,
        %parallel_loop3A_144 = tpu.vector_load_idx %arg5[%parallel_loop3A_143] : memref<128xi32, #tpu.memory_space<vmem>>[vector<16xi32>], vector<16xi32>,
        %parallel_loop3A_145 = arith.index_cast %rem3A_67 : i32 to index
        %parallel_loop3A_146 = arith.index_cast %parallel_loop3A_112 : i32 to index
        %parallel_loop3A_147 = arith.constant 48 : index
        %parallel_loop3A_148 = tpu.vector_load %arg7[%parallel_loop3A_145, %parallel_loop3A_146, %parallel_loop3A_147] {strides = array<i32>} : memref<2x200x128xi32, #tpu.memory_space<vmem>>, vector<16xi32>,
        tpu.vector_store %arg7[%parallel_loop3A_145, %parallel_loop3A_146, %parallel_loop3A_147], %parallel_loop3A_144 {strides = array<i32>} : memref<2x200x128xi32, #tpu.memory_space<vmem>>, vector<16xi32>,
        %parallel_loop3A_149 = arith.index_cast %rem3A_67 : i32 to index
        %parallel_loop3A_150 = arith.index_cast %parallel_loop3A_112 : i32 to index
        %parallel_loop3A_151 = arith.constant 64 : index
        %parallel_loop3A_152 = tpu.vector_load %arg6[%parallel_loop3A_149, %parallel_loop3A_150, %parallel_loop3A_151] {strides = array<i32>} : memref<2x200x128xi32, #tpu.memory_space<vmem>>, vector<16xi32>,
        %parallel_loop3A_153 = tpu.vector_load_idx %arg5[%parallel_loop3A_152] : memref<128xi32, #tpu.memory_space<vmem>>[vector<16xi32>], vector<16xi32>,
        %parallel_loop3A_154 = arith.index_cast %rem3A_67 : i32 to index
        %parallel_loop3A_155 = arith.index_cast %parallel_loop3A_112 : i32 to index
        %parallel_loop3A_156 = arith.constant 64 : index
        %parallel_loop3A_157 = tpu.vector_load %arg7[%parallel_loop3A_154, %parallel_loop3A_155, %parallel_loop3A_156] {strides = array<i32>} : memref<2x200x128xi32, #tpu.memory_space<vmem>>, vector<16xi32>,
        tpu.vector_store %arg7[%parallel_loop3A_154, %parallel_loop3A_155, %parallel_loop3A_156], %parallel_loop3A_153 {strides = array<i32>} : memref<2x200x128xi32, #tpu.memory_space<vmem>>, vector<16xi32>,
        %parallel_loop3A_158 = arith.index_cast %rem3A_67 : i32 to index
        %parallel_loop3A_159 = arith.index_cast %parallel_loop3A_112 : i32 to index
        %parallel_loop3A_160 = arith.constant 80 : index
        %parallel_loop3A_161 = tpu.vector_load %arg6[%parallel_loop3A_158, %parallel_loop3A_159, %parallel_loop3A_160] {strides = array<i32>} : memref<2x200x128xi32, #tpu.memory_space<vmem>>, vector<16xi32>,
        %parallel_loop3A_162 = tpu.vector_load_idx %arg5[%parallel_loop3A_161] : memref<128xi32, #tpu.memory_space<vmem>>[vector<16xi32>], vector<16xi32>,
        %parallel_loop3A_163 = arith.index_cast %rem3A_67 : i32 to index
        %parallel_loop3A_164 = arith.index_cast %parallel_loop3A_112 : i32 to index
        %parallel_loop3A_165 = arith.constant 80 : index
        %parallel_loop3A_166 = tpu.vector_load %arg7[%parallel_loop3A_163, %parallel_loop3A_164, %parallel_loop3A_165] {strides = array<i32>} : memref<2x200x128xi32, #tpu.memory_space<vmem>>, vector<16xi32>,
        tpu.vector_store %arg7[%parallel_loop3A_163, %parallel_loop3A_164, %parallel_loop3A_165], %parallel_loop3A_162 {strides = array<i32>} : memref<2x200x128xi32, #tpu.memory_space<vmem>>, vector<16xi32>,
        %parallel_loop3A_167 = arith.index_cast %rem3A_67 : i32 to index
        %parallel_loop3A_168 = arith.index_cast %parallel_loop3A_112 : i32 to index
        %parallel_loop3A_169 = arith.constant 96 : index
        %parallel_loop3A_170 = tpu.vector_load %arg6[%parallel_loop3A_167, %parallel_loop3A_168, %parallel_loop3A_169] {strides = array<i32>} : memref<2x200x128xi32, #tpu.memory_space<vmem>>, vector<16xi32>,
        %parallel_loop3A_171 = tpu.vector_load_idx %arg5[%parallel_loop3A_170] : memref<128xi32, #tpu.memory_space<vmem>>[vector<16xi32>], vector<16xi32>,
        %parallel_loop3A_172 = arith.index_cast %rem3A_67 : i32 to index
        %parallel_loop3A_173 = arith.index_cast %parallel_loop3A_112 : i32 to index
        %parallel_loop3A_174 = arith.constant 96 : index
        %parallel_loop3A_175 = tpu.vector_load %arg7[%parallel_loop3A_172, %parallel_loop3A_173, %parallel_loop3A_174] {strides = array<i32>} : memref<2x200x128xi32, #tpu.memory_space<vmem>>, vector<16xi32>,
        tpu.vector_store %arg7[%parallel_loop3A_172, %parallel_loop3A_173, %parallel_loop3A_174], %parallel_loop3A_171 {strides = array<i32>} : memref<2x200x128xi32, #tpu.memory_space<vmem>>, vector<16xi32>,
        %parallel_loop3A_176 = arith.index_cast %rem3A_67 : i32 to index
        %parallel_loop3A_177 = arith.index_cast %parallel_loop3A_112 : i32 to index
        %parallel_loop3A_178 = arith.constant 112 : index
        %parallel_loop3A_179 = tpu.vector_load %arg6[%parallel_loop3A_176, %parallel_loop3A_177, %parallel_loop3A_178] {strides = array<i32>} : memref<2x200x128xi32, #tpu.memory_space<vmem>>, vector<16xi32>,
        %parallel_loop3A_180 = tpu.vector_load_idx %arg5[%parallel_loop3A_179] : memref<128xi32, #tpu.memory_space<vmem>>[vector<16xi32>], vector<16xi32>,
        %parallel_loop3A_181 = arith.index_cast %rem3A_67 : i32 to index
        %parallel_loop3A_182 = arith.index_cast %parallel_loop3A_112 : i32 to index
        %parallel_loop3A_183 = arith.constant 112 : index
        %parallel_loop3A_184 = tpu.vector_load %arg7[%parallel_loop3A_181, %parallel_loop3A_182, %parallel_loop3A_183] {strides = array<i32>} : memref<2x200x128xi32, #tpu.memory_space<vmem>>, vector<16xi32>,
        tpu.vector_store %arg7[%parallel_loop3A_181, %parallel_loop3A_182, %parallel_loop3A_183], %parallel_loop3A_180 {strides = array<i32>} : memref<2x200x128xi32, #tpu.memory_space<vmem>>, vector<16xi32>,
      } {sc.loop_unroll_factor = 1 : i64, sc.parallel_access}
      %mul3A_95 = arith.constant 128 : i32
      %mul3A_96 = arith.muli %scan3A_66, %mul3A_95 : i32
      %add3A_97 = arith.addi %mul3A_2, %mul3A_96 : i32
      %dma_start3A_98 = arith.constant 0 : i32
      %dma_start3A_99 = arith.constant 0 : i32
      %dma_start3A_100 = tpu.memref_slice %arg7[%rem3A_67, %dma_start3A_98, %dma_start3A_99] : memref<2x200x128xi32, #tpu.memory_space<vmem>> -> memref<1x200x128xi32, #tpu.memory_space<vmem>>
      %dma_start3A_101 = tpu.memref_squeeze %dma_start3A_100 : memref<1x200x128xi32, #tpu.memory_space<vmem>> -> memref<200x128xi32, #tpu.memory_space<vmem>>
      %dma_start3A_102 = arith.constant 0 : i32
      %dma_start3A_103 = tpu.memref_slice %arg4[%dma_start3A_102, %add3A_97] : memref<200x16384xi32, #tpu.memory_space<hbm>> -> memref<200x128xi32, #tpu.memory_space<hbm>>
      %dma_start3A_104 = tpu.memref_slice %arg9[%rem3A_67] : memref<2x!tpu.dma_semaphore, #tpu.memory_space<semaphore_mem>> -> memref<1x!tpu.dma_semaphore, #tpu.memory_space<semaphore_mem>>
      %dma_start3A_105 = tpu.memref_squeeze %dma_start3A_104 : memref<1x!tpu.dma_semaphore, #tpu.memory_space<semaphore_mem>> -> memref<!tpu.dma_semaphore, #tpu.memory_space<semaphore_mem>>
      %dma_start3A_106 = arith.constant 0 : i32
      %dma_start3A_107 = tpu.memref_slice %arg4[%dma_start3A_106, %add3A_97] : memref<200x16384xi32, #tpu.memory_space<hbm>> -> memref<200x128xi32, #tpu.memory_space<hbm>>
      %dma_start3A_108 = arith.constant 0 : i32
      %dma_start3A_109 = arith.constant 0 : i32
      %dma_start3A_110 = tpu.memref_slice %arg7[%rem3A_67, %dma_start3A_108, %dma_start3A_109] : memref<2x200x128xi32, #tpu.memory_space<vmem>> -> memref<1x200x128xi32, #tpu.memory_space<vmem>>
      %dma_start3A_111 = tpu.memref_squeeze %dma_start3A_110 : memref<1x200x128xi32, #tpu.memory_space<vmem>> -> memref<200x128xi32, #tpu.memory_space<vmem>>
      tpu.enqueue_dma source(%dma_start3A_111 : memref<200x128xi32, #tpu.memory_space<vmem>>) target(%dma_start3A_107 : memref<200x128xi32, #tpu.memory_space<hbm>>) target_semaphore(%dma_start3A_105 : memref<!tpu.dma_semaphore, #tpu.memory_space<semaphore_mem>>)
    }
    %scan3A_29 = arith.constant 4 : i32
    %add3A_30 = arith.constant 256 : i32
    %add3A_31 = arith.addi %mul3A_2, %add3A_30 : i32
    %dma_wait3A_32 = arith.constant 0 : i32
    %dma_wait3A_33 = arith.constant 0 : i32
    %dma_wait3A_34 = arith.constant 0 : i32
    %dma_wait3A_35 = arith.constant 0 : i32
    %dma_wait3A_36 = tpu.memref_slice %arg7[%dma_wait3A_32, %dma_wait3A_34, %dma_wait3A_35] : memref<2x200x128xi32, #tpu.memory_space<vmem>> -> memref<1x200x128xi32, #tpu.memory_space<vmem>>
    %dma_wait3A_37 = tpu.memref_squeeze %dma_wait3A_36 : memref<1x200x128xi32, #tpu.memory_space<vmem>> -> memref<200x128xi32, #tpu.memory_space<vmem>>
    %dma_wait3A_38 = arith.constant 0 : i32
    %dma_wait3A_39 = tpu.memref_slice %arg4[%dma_wait3A_38, %add3A_31] : memref<200x16384xi32, #tpu.memory_space<hbm>> -> memref<200x128xi32, #tpu.memory_space<hbm>>
    %dma_wait3A_40 = tpu.memref_slice %arg9[%dma_wait3A_33] : memref<2x!tpu.dma_semaphore, #tpu.memory_space<semaphore_mem>> -> memref<1x!tpu.dma_semaphore, #tpu.memory_space<semaphore_mem>>
    %dma_wait3A_41 = tpu.memref_squeeze %dma_wait3A_40 : memref<1x!tpu.dma_semaphore, #tpu.memory_space<semaphore_mem>> -> memref<!tpu.dma_semaphore, #tpu.memory_space<semaphore_mem>>
    %dma_wait3A_42 = arith.constant 0 : i32
    %dma_wait3A_43 = tpu.memref_slice %arg4[%dma_wait3A_42, %add3A_31] : memref<200x16384xi32, #tpu.memory_space<hbm>> -> memref<200x128xi32, #tpu.memory_space<hbm>>
    %dma_wait3A_44 = arith.constant 0 : i32
    %dma_wait3A_45 = arith.constant 0 : i32
    %dma_wait3A_46 = tpu.memref_slice %arg7[%dma_wait3A_32, %dma_wait3A_44, %dma_wait3A_45] : memref<2x200x128xi32, #tpu.memory_space<vmem>> -> memref<1x200x128xi32, #tpu.memory_space<vmem>>
    %dma_wait3A_47 = tpu.memref_squeeze %dma_wait3A_46 : memref<1x200x128xi32, #tpu.memory_space<vmem>> -> memref<200x128xi32, #tpu.memory_space<vmem>>
    tpu.wait_dma2 semaphore(%dma_wait3A_41 : memref<!tpu.dma_semaphore, #tpu.memory_space<semaphore_mem>>) src(%dma_wait3A_47 : memref<200x128xi32, #tpu.memory_space<vmem>>) dst(%dma_wait3A_43 : memref<200x128xi32, #tpu.memory_space<hbm>>)
    %add3A_48 = arith.constant 384 : i32
    %add3A_49 = arith.addi %mul3A_2, %add3A_48 : i32
    %dma_wait3A_50 = arith.constant 1 : i32
    %dma_wait3A_51 = arith.constant 1 : i32
    %dma_wait3A_52 = arith.constant 0 : i32
    %dma_wait3A_53 = arith.constant 0 : i32
    %dma_wait3A_54 = tpu.memref_slice %arg7[%dma_wait3A_50, %dma_wait3A_52, %dma_wait3A_53] : memref<2x200x128xi32, #tpu.memory_space<vmem>> -> memref<1x200x128xi32, #tpu.memory_space<vmem>>
    %dma_wait3A_55 = tpu.memref_squeeze %dma_wait3A_54 : memref<1x200x128xi32, #tpu.memory_space<vmem>> -> memref<200x128xi32, #tpu.memory_space<vmem>>
    %dma_wait3A_56 = arith.constant 0 : i32
    %dma_wait3A_57 = tpu.memref_slice %arg4[%dma_wait3A_56, %add3A_49] : memref<200x16384xi32, #tpu.memory_space<hbm>> -> memref<200x128xi32, #tpu.memory_space<hbm>>
    %dma_wait3A_58 = tpu.memref_slice %arg9[%dma_wait3A_51] : memref<2x!tpu.dma_semaphore, #tpu.memory_space<semaphore_mem>> -> memref<1x!tpu.dma_semaphore, #tpu.memory_space<semaphore_mem>>
    %dma_wait3A_59 = tpu.memref_squeeze %dma_wait3A_58 : memref<1x!tpu.dma_semaphore, #tpu.memory_space<semaphore_mem>> -> memref<!tpu.dma_semaphore, #tpu.memory_space<semaphore_mem>>
    %dma_wait3A_60 = arith.constant 0 : i32
    %dma_wait3A_61 = tpu.memref_slice %arg4[%dma_wait3A_60, %add3A_49] : memref<200x16384xi32, #tpu.memory_space<hbm>> -> memref<200x128xi32, #tpu.memory_space<hbm>>
    %dma_wait3A_62 = arith.constant 0 : i32
    %dma_wait3A_63 = arith.constant 0 : i32
    %dma_wait3A_64 = tpu.memref_slice %arg7[%dma_wait3A_50, %dma_wait3A_62, %dma_wait3A_63] : memref<2x200x128xi32, #tpu.memory_space<vmem>> -> memref<1x200x128xi32, #tpu.memory_space<vmem>>
    %dma_wait3A_65 = tpu.memref_squeeze %dma_wait3A_64 : memref<1x200x128xi32, #tpu.memory_space<vmem>> -> memref<200x128xi32, #tpu.memory_space<vmem>>
    tpu.wait_dma2 semaphore(%dma_wait3A_59 : memref<!tpu.dma_semaphore, #tpu.memory_space<semaphore_mem>>) src(%dma_wait3A_65 : memref<200x128xi32, #tpu.memory_space<vmem>>) dst(%dma_wait3A_61 : memref<200x128xi32, #tpu.memory_space<hbm>>)
    return
  }
}

</mosaic_0001>

<sc_bundles>
// kernel: kernel.3.cloned.1.call-start
scs
__scs_entry_jumppad:
0x0: {  	(pc) =	sbr.rel $0x88, $3  }
0x1: {  	(tag) =	ssettag $0x0;
	lr =	simm.s32 $0x1  }
0x2: {  	[smem:$0x3F9F] =	sst lr;
	_ =	strace $0xD0000000  }
0x3: {  	_ = 	snop  }
0x4: {  	_ = 	snop  }
0x5: {  	_ = 	snop  }
0x6: {  	_ = 	snop  }
0x7: {  	_ = 	snop  }
__scs_overlays_trampoline_lowered:
0x8: {  	[smem:$0x3FAE] =	sst s0  }
0x9: {  	[smem:$0x3FAF] =	sst s1  }
0xa: {  	[smem:$0x3FB0] =	sst s2  }
0xb: {  	[smem:$0x3FB1] =	sst s3  }
0xc: {  	[smem:$0x3FB2] =	sst s4  }
0xd: {  	[smem:$0x3FB3] =	sst s5  }
0xe: {  	[smem:$0x3FB4] =	sst s6  }
0xf: {  	[smem:$0x3FB5] =	sst s7  }
0x10: {  	[smem:$0x3FB6] =	sst s8  }
0x11: {  	[smem:$0x3FB7] =	sst s9;
	s0 =	simm.s32 @!p0 $0x0  }
0x12: {  	s1 =	sld [smem:$0x3F9D];
	s0 =	simm.s32 @p0 $0x1  }
0x13: {  	[smem:$0x3FB8] =	sst s0;
	s0 =	simm.s32 @!p1 $0x0  }
0x14: {  	s2 =	sld [smem:$0x3F9C];
	s0 =	simm.s32 @p1 $0x1  }
0x15: {  	[smem:$0x3FB9] =	sst s0;
	s0 =	simm.s32 @!p2 $0x0  }
0x16: {  	s3 =	sld [smem:$0x3FDB];
	s0 =	simm.s32 @p2 $0x1  }
0x17: {  	s4 =	simm.s32 $0x1BF5;
	[smem:$0x3FBB] =	sst s0  }
0x18: {  	s0 =	sld [smem:$0x3F9E];
	_ =	swait.ge [sflag:s4], $0x0  }
0x19: {  	s7 =	sld [smem:$0x3F9F]  }
0x1a: {  	s8 =	sadd.s32 $0xFFFFE003, lr  }
0x1b: {  	s9 =	sadd.s32 $0xFFFFFEF7, lr;
	s5 =	simm.s32 $0xFFFFFFFF;
	p2 =	slt.u32 s8, $0xFFFFF086  }
0x1c: {  	p1 =	slt.u32 s9, $0xF7A;
	s5 =	simm.s32 @!p2 $0x0  }
0x1d: {  	s5 =	simm.s32 @p1 $0x1;
	p0 =	seq.s32 s7, s2  }
0x1e: {  	s7 =	smul.u32 @!p0 $0xF7A, s2;
	p2 =	seq.s32 @!p0 s5, $0x0  }
0x1f: {  	s9 =	smul.u32 $0xF7A, s1;
	s8 =	simm.s32 @!p0 $0x1BF5;
	p2 =	por !p2, p0  }
0x20: {  	[sflag:s8] =	ssyncset.s32 @!p0 $0xFFFFF086;
	s6 =	sadd.s32 @!p0 s3, s7;
	s7 =	simm.s32 @!p0 $0x108  }
0x21: {  	s3 =	sadd.s32 s3, s9;
	s6 =	sadd.s32 @!p0 $0x88, s6;
	s7 =	simm.s32 @p2 $0x1082  }
0x22: {  	[simem:s7], [sflag:s8] =	dma.local @!p0 [hbm:s6], $0xF7A  }
0x23: {  	s9 =	sor.u32 $0xD0000000, s2;
	s6 =	simm.s32 $0x108;
	_ =	swait.ge @!p0 [sflag:s8], $0x0  }
0x24: {  	s3 =	sadd.s32 $0x88, s3;
	s6 =	simm.s32 @!p1 $0x1082;
	[sflag:s4] =	ssyncset.s32 $0xFFFFF086  }
0x25: {  	[simem:s6], [sflag:s4] =	dma.local [hbm:s3], $0xF7A  }
0x26: {  	[smem:$0x3F9F] =	sst s1;
	(tag) =	ssettag s2;
	_ =	strace s9  }
0x27: {  	s1 =	sld [smem:$0x3FAF]  }
0x28: {  	s2 =	sld [smem:$0x3FB0]  }
0x29: {  	s4 =	sld [smem:$0x3FB2]  }
0x2a: {  	p0 =	seq.s32 s5, $0x0;
	s5 =	sld [smem:$0x3FB3]  }
0x2b: {  	s6 =	sld [smem:$0x3FB4]  }
0x2c: {  	s7 =	sld [smem:$0x3FB5]  }
0x2d: {  	s3 =	simm.s32 $0x108;
	s8 =	sld [smem:$0x3FB6]  }
0x2e: {  	s3 =	simm.s32 @!p0 $0x1082;
	s9 =	sld [smem:$0x3FB7]  }
0x2f: {  	lr =	sadd.s32 s0, s3;
	s0 =	sld [smem:$0x3FAE]  }
0x30: {  	s3 =	sld [smem:$0x3FB1]  }
0x31: {  	[smem:$0x3FBA] =	sst s10  }
0x32: {  	s10 =	sld [smem:$0x3FB8];
	_ =	sdelay $0x3  }
0x33: {  	p0 =	seq.s32 s10, $0x1;
	s10 =	sld [smem:$0x3FBA];
	_ =	sdelay $0x3  }
0x34: {  	[smem:$0x3FBA] =	sst s10  }
0x35: {  	s10 =	sld [smem:$0x3FB9];
	_ =	sdelay $0x3  }
0x36: {  	p1 =	seq.s32 s10, $0x1;
	s10 =	sld [smem:$0x3FBA];
	_ =	sdelay $0x3  }
0x37: {  	[smem:$0x3FBA] =	sst s10  }
0x38: {  	s10 =	sld [smem:$0x3FBB]  }
0x39: {  	_ = 	snop;
	(pc) =	sbr.ind lr, $3  }
0x3a: {  	_ = 	snop  }
0x3b: {  	_ = 	snop  }
0x3c: {  	p2 =	seq.s32 s10, $0x1;
	s10 =	sld [smem:$0x3FBA]  }
0x3d: {  	_ =	shalt  }
0x3e: {  	_ =	shalt  }
0x3f: {  	_ =	shalt  }
0x40: {  	_ =	shalt  }
0x41: {  	_ =	shalt  }
0x42: {  	_ =	shalt  }
0x43: {  	_ =	shalt  }
0x44: {  	_ =	shalt  }
0x45: {  	_ =	shalt  }
0x46: {  	_ =	shalt  }
0x47: {  	_ =	shalt  }
0x48: {  	_ =	shalt  }
0x49: {  	_ =	shalt  }
0x4a: {  	_ =	shalt  }
0x4b: {  	_ =	shalt  }
0x4c: {  	_ =	shalt  }
0x4d: {  	_ =	shalt  }
0x4e: {  	_ =	shalt  }
0x4f: {  	_ =	shalt  }
0x50: {  	_ =	shalt  }
0x51: {  	_ =	shalt  }
0x52: {  	_ =	shalt  }
0x53: {  	_ =	shalt  }
0x54: {  	_ =	shalt  }
0x55: {  	_ =	shalt  }
0x56: {  	_ =	shalt  }
0x57: {  	_ =	shalt  }
0x58: {  	_ =	shalt  }
0x59: {  	_ =	shalt  }
0x5a: {  	_ =	shalt  }
0x5b: {  	_ =	shalt  }
0x5c: {  	_ =	shalt  }
0x5d: {  	_ =	shalt  }
0x5e: {  	_ =	shalt  }
0x5f: {  	_ =	shalt  }
0x60: {  	_ =	shalt  }
0x61: {  	_ =	shalt  }
0x62: {  	_ =	shalt  }
0x63: {  	_ =	shalt  }
0x64: {  	_ =	shalt  }
0x65: {  	_ =	shalt  }
0x66: {  	_ =	shalt  }
0x67: {  	_ =	shalt  }
0x68: {  	_ =	shalt  }
0x69: {  	_ =	shalt  }
0x6a: {  	_ =	shalt  }
0x6b: {  	_ =	shalt  }
0x6c: {  	_ =	shalt  }
0x6d: {  	_ =	shalt  }
0x6e: {  	_ =	shalt  }
0x6f: {  	_ =	shalt  }
0x70: {  	_ =	shalt  }
0x71: {  	_ =	shalt  }
0x72: {  	_ =	shalt  }
0x73: {  	_ =	shalt  }
0x74: {  	_ =	shalt  }
0x75: {  	_ =	shalt  }
0x76: {  	_ =	shalt  }
0x77: {  	_ =	shalt  }
0x78: {  	_ =	shalt  }
0x79: {  	_ =	shalt  }
0x7a: {  	_ =	shalt  }
0x7b: {  	_ =	shalt  }
0x7c: {  	_ =	shalt  }
0x7d: {  	_ =	shalt  }
0x7e: {  	_ =	shalt  }
0x7f: {  	_ =	shalt  }
0x80: {  	_ =	shalt  }
0x81: {  	_ =	shalt  }
0x82: {  	_ =	shalt  }
0x83: {  	_ =	shalt  }
0x84: {  	_ =	shalt  }
0x85: {  	_ =	shalt  }
0x86: {  	_ =	shalt  }
0x87: {  	_ =	shalt  }
.Lfunc_end0:
.L_simem_size_0:
called_computation_lowered:
.L_overlay_start_0:
0x88: {  	s2 =	sld [smem:$0x3FD9]  }
0x89: {  	s3 =	sld [smem:$0x3FFE];
	_ =	sdelay $0x1  }
0x8a: {  	s1 =	srdreg.scid  }
0x8b: {  	s0 =	sand.u32 $0x1, s1  }
0x8c: {  	s18 =	sshll.u32 s0, $0xA;
	s2 =	sadd.s32 s3, s2  }
0x8d: {  	s2 =	sadd.s32 s2, s18  }
0x8e: {  	[smem:$0x3FC6] =	sst s2  }
0x8f: {  	_ = 	snop  }
0x90: {  	s2 =	sld [smem:$0x3FC9]  }
0x91: {  	s19 =	sld [smem:$0x3FC8]  }
0x92: {  	s4 =	sld [smem:$0x3FD0];
	(tm) =	ssettm $0x1  }
0x93: {  	s5 =	sld [smem:$0x3FFB];
	_ =	sdelay $0x3  }
0x94: {  	_ =	strace s5  }
0x95: {  	s5 =	sld [smem:$0x3FFC];
	_ =	sdelay $0x3  }
0x96: {  	_ =	strace s5  }
0x97: {  	s5 =	sld [smem:$0x3FFD];
	_ =	sdelay $0x3  }
0x98: {  	_ =	strace s5  }
0x99: {  	_ =	strace $0x8FFFFFFF  }
0x9a: {  	s20 =	sld [smem:$0x3FDB];
	_ =	sdelay $0x1  }
0x9b: {  	s6 =	simm.s32 $_scs_section_size  }
0x9c: {  	s7 =	simm.s32 $_size__tile_overlayer_lowered;
	s8 =	simm.s32 $_tile_overlayer_lowered  }
0x9d: {  	s23 =	simm.s32 $0x1BFF;
	s22 =	sshll.u32 s8, $0x1;
	s5 =	sadd.s32 s6, s20  }
0x9e: {  	s9 =	simm.s32 $0x0;
	s21 =	sshll.u32 s7, $0x1;
	s7 =	sadd.s32 s22, s5  }
0x9f: {  	[timem:s9], [sflag:s23] =	dma.local [hbm:s7], s21  }
0xa0: {  	_ =	swait.ge [sflag:s23], s21  }
0xa1: {  	s6 =	ssub.s32 $0x0, s21;
	[sflag:s23] =	ssyncset.done $0x0  }
0xa2: {  	[sflag:s23] =	ssyncadd.s32 s6;
	_ =	sdelay $0x1  }
0xa3: {  	s24 =	simm.s32 $0x1B8B  }
0xa4: {  	_ =	swait.ge [sflag:s24], $0x1  }
0xa5: {  	[sflag:s24] =	ssyncset.done $0x0  }
0xa6: {  	s25 =	simm.s32 $0x1B8E;
	[sflag:s24] =	ssyncadd.s32 $0xFFFFFFFF  }
0xa7: {  	s26 =	simm.s32 $execute0_lowered;
	[smem:$0x3FD2] =	sst s25  }
0xa8: {  	s6 =	sshll.u32 s26, $0x1;
	_ =	strace $0x80000046;
	[dreg:$0x1] =	wrdreg $0xFFFFFFFF  }
0xa9: {  	s28 =	simm.s32 $_size_execute0_lowered;
	s5 =	sadd.s32 s5, s6;
	[dreg:$0x0] =	wrdreg $0x0  }
0xaa: {  	s6 =	sshll.u32 s28, $0x1;
	[dreg:$0x2] =	wrdreg s5  }
0xab: {  	[dreg:$0x3] =	wrdreg s6  }
0xac: {  	[dreg:$0x4] =	wrdreg $0xC0  }
0xad: {  	_ =	task [dreg:s9], $0x5FFFF  }
0xae: {  	[dreg:$0x1] =	wrdreg $0xFFFFFFFF  }
0xaf: {  	[dreg:$0x0] =	wrdreg $0x60  }
0xb0: {  	[dreg:$0x2] =	wrdreg s2  }
0xb1: {  	[dreg:$0x3] =	wrdreg s19  }
0xb2: {  	[dreg:$0x4] =	wrdreg s4  }
0xb3: {  	[dreg:$0x5] =	wrdreg $0x9  }
0xb4: {  	_ =	task.clear_ibuf [dreg:s9], $0x6FFFF;
	_ =	strace $0x90000046  }
0xb5: {  	s29 =	simm.s32 $0x9;
	_ =	strace $0x80000048  }
0xb6: {  	_ =	swait.ge [sflag:s29], $0x1  }
0xb7: {  	[sflag:s29] =	ssyncadd.s32 $0xFFFFFFFF  }
0xb8: {  	_ =	strace $0x90000048  }
0xb9: {  	_ =	sfence  }
0xba: {  	s30 =	sld [smem:$0x0];
	_ =	sdelay $0x2  }
0xbb: {  	s31 =	sshll.u32 s1, $0xD;
	s1 =	sshrl.u32 s1, $0x2  }
0xbc: {  	s3 =	sand.u32 $0x4000, s31;
	s1 =	sadd.s32 s1, s30  }
0xbd: {  	s0 =	sor.u32 s3, s0;
	s1 =	sshll.u32 s1, $0x11  }
0xbe: {  	s0 =	sor.u32 s1, s0  }
0xbf: {  	s0 =	sadd.s32 $0x8F2B, s0  }
0xc0: {  	[sflag:s0] =	ssyncadd.remote.s32 $0x1  }
0xc1: {  	_ =	sfence.sel $0xFFFF  }
0xc2: {  	[dreg:$0x0] =	wrdreg $0xFFFFFFFF;
	(pc) =	sbr.abs _section_cstart, $3  }
0xc3: {  	[dreg:$0x1] =	wrdreg $0xFFFFFFFF  }
0xc4: {  	_ =	task.clear_ibuf [dreg:s9], $0x2FFFF;
	_ =	strace $0x9FFFFFFF  }
0xc5: {  	(tm) =	ssettm $0x7FFFFFFF  }
tec
execute0_lowered:
.L_overlay_start_1:
0x0: {  	(tag) =	ssettag $0x1  }
0x1: {  	s4 =	rddreg [dreg:$0x0]  }
0x2: {  	s1 =	rddreg [dreg:$0x1]  }
0x3: {  	s5 =	rddreg [dreg:$0x2];
	s2 =	srdreg.scid  }
0x4: {  	s0 =	rddreg [dreg:$0x3];
	s3 =	simm.s32 $0x0;
	s10 =	simm.s32 $0x3  }
0x5: {  	s11 =	simm.s32 $0x4;
	s12 =	simm.s32 $0x0;
	s6 =	sand.u32 $0x1, s2  }
0x6: {  	[smem:$0x7FF] =	sst s3;
	s2 =	stileid.u32;
	s7 =	ssub.s32 $0x2, s6  }
0x7: {  	s9 =	sshll.u32 s2, $0xA;
	s6 =	sshll.u32 s6, $0x9;
	_ =	strace $0x80000047  }
0x8: {  	s8 =	sshrl.u32 s7, $0x1;
	s6 =	sor.u32 s6, s9;
	s9 =	simm.s32 $0x80  }
0x9: {  	s7 =	ssub.s32 s7, s8;
	s4 =	sadd.s32 s4, s6;
	s5 =	sadd.s32 s5, s6  }
0xa: {  	s8 =	simm.s32 $0x20000;
	s6 =	smax.u32 s7, $0x1;
	s7 =	simm.s32 $0x400  }
.LBB2_1:
0xb: {  	[tilespmem:s3], [sflag:$0x3] =	stream.linear.gather [hbm4b:s1+s3], $0x80, $0x38;
	[tilespmem:$0x19080] =	vst v63  }
0xc: {  	_ = 	snop  }
0xd: {  	[tilespmem:s9], [sflag:$0x1] =	stream.strided.gather [hbm4b:s4+s7], $0x6400, s8, s7, $0x38;
	[tilespmem:$0x19080] =	vst v63  }
0xe: {  	_ =	swait.ge [sflag:s10], $0x80  }
0xf: {  	[sflag:s10] =	ssyncset.done $0x0  }
0x10: {  	p0 =	por $0x0, $0x0;
	s13 =	simm.s32 $0x0;
	[sflag:s10] =	ssyncadd.s32 $0xFFFFFF80  }
.LBB2_2:
0x11: {  	s14 =	sand.u32 $0x1, s13;
	p1 =	seq.s32 s13, $0x3;
	s15 =	simm.s32 $0x1  }
0x12: {  	s16 =	sxor.u32 @!p1 $0x1, s14;
	s15 =	simm.s32 @!p0 $0x0  }
0x13: {  	s20 =	simm.s32 @!p1 $0x400;
	s21 =	simm.s32 @!p1 $0x20000;
	s17 =	smul.u32 @!p1 $0x19000, s16  }
0x14: {  	s31 =	sadd.s32 $0x1, s14;
	s18 =	smul.u32 $0x19000, s15;
	s15 =	sadd.s32 $0x1, s13  }
0x15: {  	s16 =	sadd.s32 @!p1 $0x1, s16;
	s19 =	sshll.u32 @!p1 s15, $0x7;
	s17 =	sshrl.u32 @!p1 s17, $0x2  }
0x16: {  	s19 =	sadd.s32 @!p1 s19, s4;
	s30 =	sshrl.u32 s18, $0x2;
	s17 =	sor.u32 @!p1 $0x80, s17  }
0x17: {  	[tilespmem:s17], [sflag:s16] =	stream.strided.gather @!p1 [hbm4b:s19+s20], $0x6400, s21, s20, $0x38;
	[tilespmem:$0x19080] =	vst v63  }
0x18: {  	s18 =	sor.u32 $0xC0, s30;
	_ =	swait.ge [sflag:s31], $0x6400  }
0x19: {  	p1 =	slt.u32 s13, $0x2;
	v1 =	vmov s18;
	[sflag:s31] =	ssyncset.done $0x0  }
0x1a: {  	s16 =	sadd.s32 @!p1 $0x3, s14;
	[sflag:s31] =	ssyncadd.s32 $0xFFFF9C00  }
0x1b: {  	_ =	swait.ge @!p1 [sflag:s16], $0x6400  }
0x1c: {  	[sflag:s16] =	ssyncset.done @!p1 $0x0  }
0x1d: {  	[sflag:s16] =	ssyncadd.s32 @!p1 $0xFFFF9C00;
	s16 =	simm.s32 $0x0  }
0x1e: {  	v2 =	vld.idx.msk [tilespmem:v1+s16+$0xFFFFFFC0 ss:$0x1], $0xffff;
	_ =	sdelay $0x6  }
0x1f: {  	s17 =	sadd.s32 $0xC8F0, s30  }
0x20: {  	v0 =	vmov s17;
	v2 =	vld.idx.msk [tilespmem:v2+s3+$0x0], $0xffff;
	_ =	sdelay $0x4  }
0x21: {  	[tilespmem:v0+s16+$0xFFFFFF90 ss:$0x1] =	vst.idx.msk $0xffff, v2  }
0x22: {  	s17 =	simm.s32 $0x80;
	v2 =	vld.idx.msk [tilespmem:v1+s16+$0xFFFFFFD0 ss:$0x1], $0xffff  }
0x23: {  	v3 =	vld.idx.msk [tilespmem:v1+s17+$0xFFFFFFC0 ss:$0x1], $0xffff;
	_ =	sdelay $0x6  }
0x24: {  	v2 =	vld.idx.msk [tilespmem:v2+s3+$0x0], $0xffff  }
0x25: {  	v3 =	vld.idx.msk [tilespmem:v3+s3+$0x0], $0xffff;
	_ =	sdelay $0x3  }
0x26: {  	[tilespmem:v0+s16+$0xFFFFFFA0 ss:$0x1] =	vst.idx.msk $0xffff, v2  }
0x27: {  	[tilespmem:v0+s17+$0xFFFFFF90 ss:$0x1] =	vst.idx.msk $0xffff, v3;
	v2 =	vld.idx.msk [tilespmem:v1+s16+$0xFFFFFFE0 ss:$0x1], $0xffff  }
0x28: {  	s18 =	simm.s32 $0x100;
	v3 =	vld.idx.msk [tilespmem:v1+s17+$0xFFFFFFD0 ss:$0x1], $0xffff  }
0x29: {  	v4 =	vld.idx.msk [tilespmem:v1+s18+$0xFFFFFFC0 ss:$0x1], $0xffff;
	_ =	sdelay $0x5  }
0x2a: {  	v2 =	vld.idx.msk [tilespmem:v2+s3+$0x0], $0xffff  }
0x2b: {  	v3 =	vld.idx.msk [tilespmem:v3+s3+$0x0], $0xffff  }
0x2c: {  	v4 =	vld.idx.msk [tilespmem:v4+s3+$0x0], $0xffff;
	_ =	sdelay $0x2  }
0x2d: {  	[tilespmem:v0+s16+$0xFFFFFFB0 ss:$0x1] =	vst.idx.msk $0xffff, v2  }
0x2e: {  	[tilespmem:v0+s17+$0xFFFFFFA0 ss:$0x1] =	vst.idx.msk $0xffff, v3;
	v2 =	vld.idx.msk [tilespmem:v1+s16+$0xFFFFFFF0 ss:$0x1], $0xffff  }
0x2f: {  	[tilespmem:v0+s18+$0xFFFFFF90 ss:$0x1] =	vst.idx.msk $0xffff, v4;
	v3 =	vld.idx.msk [tilespmem:v1+s17+$0xFFFFFFE0 ss:$0x1], $0xffff  }
0x30: {  	s19 =	simm.s32 $0x180;
	v4 =	vld.idx.msk [tilespmem:v1+s18+$0xFFFFFFD0 ss:$0x1], $0xffff  }
0x31: {  	v5 =	vld.idx.msk [tilespmem:v1+s19+$0xFFFFFFC0 ss:$0x1], $0xffff;
	_ =	sdelay $0x4  }
0x32: {  	v2 =	vld.idx.msk [tilespmem:v2+s3+$0x0], $0xffff  }
0x33: {  	v3 =	vld.idx.msk [tilespmem:v3+s3+$0x0], $0xffff  }
0x34: {  	v4 =	vld.idx.msk [tilespmem:v4+s3+$0x0], $0xffff  }
0x35: {  	v5 =	vld.idx.msk [tilespmem:v5+s3+$0x0], $0xffff;
	_ =	sdelay $0x1  }
0x36: {  	[tilespmem:v0+s16+$0xFFFFFFC0 ss:$0x1] =	vst.idx.msk $0xffff, v2  }
0x37: {  	[tilespmem:v0+s17+$0xFFFFFFB0 ss:$0x1] =	vst.idx.msk $0xffff, v3;
	v2 =	vld.idx.msk [tilespmem:v1+s16+$0x0 ss:$0x1], $0xffff  }
0x38: {  	[tilespmem:v0+s18+$0xFFFFFFA0 ss:$0x1] =	vst.idx.msk $0xffff, v4;
	v3 =	vld.idx.msk [tilespmem:v1+s17+$0xFFFFFFF0 ss:$0x1], $0xffff  }
0x39: {  	[tilespmem:v0+s19+$0xFFFFFF90 ss:$0x1] =	vst.idx.msk $0xffff, v5;
	v4 =	vld.idx.msk [tilespmem:v1+s18+$0xFFFFFFE0 ss:$0x1], $0xffff  }
0x3a: {  	s20 =	simm.s32 $0x200;
	v5 =	vld.idx.msk [tilespmem:v1+s19+$0xFFFFFFD0 ss:$0x1], $0xffff  }
0x3b: {  	v6 =	vld.idx.msk [tilespmem:v1+s20+$0xFFFFFFC0 ss:$0x1], $0xffff;
	_ =	sdelay $0x3  }
0x3c: {  	v2 =	vld.idx.msk [tilespmem:v2+s3+$0x0], $0xffff  }
0x3d: {  	v3 =	vld.idx.msk [tilespmem:v3+s3+$0x0], $0xffff  }
0x3e: {  	v4 =	vld.idx.msk [tilespmem:v4+s3+$0x0], $0xffff  }
0x3f: {  	v5 =	vld.idx.msk [tilespmem:v5+s3+$0x0], $0xffff  }
0x40: {  	v6 =	vld.idx.msk [tilespmem:v6+s3+$0x0], $0xffff  }
0x41: {  	[tilespmem:v0+s16+$0xFFFFFFD0 ss:$0x1] =	vst.idx.msk $0xffff, v2  }
0x42: {  	[tilespmem:v0+s17+$0xFFFFFFC0 ss:$0x1] =	vst.idx.msk $0xffff, v3;
	v2 =	vld.idx.msk [tilespmem:v1+s16+$0x10 ss:$0x1], $0xffff  }
0x43: {  	[tilespmem:v0+s18+$0xFFFFFFB0 ss:$0x1] =	vst.idx.msk $0xffff, v4;
	v3 =	vld.idx.msk [tilespmem:v1+s17+$0x0 ss:$0x1], $0xffff  }
0x44: {  	[tilespmem:v0+s19+$0xFFFFFFA0 ss:$0x1] =	vst.idx.msk $0xffff, v5;
	v4 =	vld.idx.msk [tilespmem:v1+s18+$0xFFFFFFF0 ss:$0x1], $0xffff  }
0x45: {  	[tilespmem:v0+s20+$0xFFFFFF90 ss:$0x1] =	vst.idx.msk $0xffff, v6;
	v5 =	vld.idx.msk [tilespmem:v1+s19+$0xFFFFFFE0 ss:$0x1], $0xffff  }
0x46: {  	s21 =	simm.s32 $0x280;
	v6 =	vld.idx.msk [tilespmem:v1+s20+$0xFFFFFFD0 ss:$0x1], $0xffff  }
0x47: {  	v7 =	vld.idx.msk [tilespmem:v1+s21+$0xFFFFFFC0 ss:$0x1], $0xffff  }
0x48: {  	s22 =	simm.s32 $0x300  }
0x49: {  	v8 =	vld.idx.msk [tilespmem:v1+s22+$0xFFFFFFC0 ss:$0x1], $0xffff  }
0x4a: {  	v2 =	vld.idx.msk [tilespmem:v2+s3+$0x0], $0xffff  }
0x4b: {  	v3 =	vld.idx.msk [tilespmem:v3+s3+$0x0], $0xffff  }
0x4c: {  	v4 =	vld.idx.msk [tilespmem:v4+s3+$0x0], $0xffff  }
0x4d: {  	v5 =	vld.idx.msk [tilespmem:v5+s3+$0x0], $0xffff  }
0x4e: {  	v6 =	vld.idx.msk [tilespmem:v6+s3+$0x0], $0xffff  }
0x4f: {  	v7 =	vld.idx.msk [tilespmem:v7+s3+$0x0], $0xffff;
	[tilespmem:v0+s16+$0xFFFFFFE0 ss:$0x1] =	vst.idx.msk $0xffff, v2  }
0x50: {  	[tilespmem:v0+s17+$0xFFFFFFD0 ss:$0x1] =	vst.idx.msk $0xffff, v3;
	v2 =	vld.idx.msk [tilespmem:v1+s16+$0x20 ss:$0x1], $0xffff  }
0x51: {  	[tilespmem:v0+s18+$0xFFFFFFC0 ss:$0x1] =	vst.idx.msk $0xffff, v4;
	v3 =	vld.idx.msk [tilespmem:v1+s17+$0x10 ss:$0x1], $0xffff  }
0x52: {  	[tilespmem:v0+s19+$0xFFFFFFB0 ss:$0x1] =	vst.idx.msk $0xffff, v5;
	v4 =	vld.idx.msk [tilespmem:v1+s18+$0x0 ss:$0x1], $0xffff  }
0x53: {  	[tilespmem:v0+s20+$0xFFFFFFA0 ss:$0x1] =	vst.idx.msk $0xffff, v6;
	v5 =	vld.idx.msk [tilespmem:v1+s19+$0xFFFFFFF0 ss:$0x1], $0xffff  }
0x54: {  	[tilespmem:v0+s21+$0xFFFFFF90 ss:$0x1] =	vst.idx.msk $0xffff, v7;
	v6 =	vld.idx.msk [tilespmem:v1+s20+$0xFFFFFFE0 ss:$0x1], $0xffff  }
0x55: {  	v7 =	vld.idx.msk [tilespmem:v1+s21+$0xFFFFFFD0 ss:$0x1], $0xffff;
	_ =	sdelay $0x1  }
0x56: {  	v8 =	vld.idx.msk [tilespmem:v8+s3+$0x0], $0xffff  }
0x57: {  	v2 =	vld.idx.msk [tilespmem:v2+s3+$0x0], $0xffff  }
0x58: {  	v3 =	vld.idx.msk [tilespmem:v3+s3+$0x0], $0xffff  }
0x59: {  	v4 =	vld.idx.msk [tilespmem:v4+s3+$0x0], $0xffff  }
0x5a: {  	v5 =	vld.idx.msk [tilespmem:v5+s3+$0x0], $0xffff  }
0x5b: {  	v6 =	vld.idx.msk [tilespmem:v6+s3+$0x0], $0xffff  }
0x5c: {  	v7 =	vld.idx.msk [tilespmem:v7+s3+$0x0], $0xffff;
	[tilespmem:v0+s16+$0xFFFFFFF0 ss:$0x1] =	vst.idx.msk $0xffff, v2  }
0x5d: {  	[tilespmem:v0+s17+$0xFFFFFFE0 ss:$0x1] =	vst.idx.msk $0xffff, v3;
	v2 =	vld.idx.msk [tilespmem:v1+s16+$0x30 ss:$0x1], $0xffff  }
0x5e: {  	[tilespmem:v0+s18+$0xFFFFFFD0 ss:$0x1] =	vst.idx.msk $0xffff, v4;
	v3 =	vld.idx.msk [tilespmem:v1+s17+$0x20 ss:$0x1], $0xffff  }
0x5f: {  	[tilespmem:v0+s19+$0xFFFFFFC0 ss:$0x1] =	vst.idx.msk $0xffff, v5;
	v4 =	vld.idx.msk [tilespmem:v1+s18+$0x10 ss:$0x1], $0xffff  }
0x60: {  	[tilespmem:v0+s20+$0xFFFFFFB0 ss:$0x1] =	vst.idx.msk $0xffff, v6;
	v5 =	vld.idx.msk [tilespmem:v1+s19+$0x0 ss:$0x1], $0xffff  }
0x61: {  	[tilespmem:v0+s21+$0xFFFFFFA0 ss:$0x1] =	vst.idx.msk $0xffff, v7;
	v6 =	vld.idx.msk [tilespmem:v1+s20+$0xFFFFFFF0 ss:$0x1], $0xffff  }
0x62: {  	[tilespmem:v0+s22+$0xFFFFFF90 ss:$0x1] =	vst.idx.msk $0xffff, v8;
	v7 =	vld.idx.msk [tilespmem:v1+s21+$0xFFFFFFE0 ss:$0x1], $0xffff  }
0x63: {  	s23 =	simm.s32 $0x380;
	s24 =	simm.s32 $0x1000;
	v8 =	vld.idx.msk [tilespmem:v1+s22+$0xFFFFFFD0 ss:$0x1], $0xffff  }
.LBB2_3:
0x64: {  	p1 =	sne.s32 s24, $0x18E00;
	v9 =	vld.idx.msk [tilespmem:v1+s23+$0xFFFFFFC0 ss:$0x1], $0xffff  }
0x65: {  	v2 =	vld.idx.msk [tilespmem:v2+s3+$0x0], $0xffff  }
0x66: {  	v3 =	vld.idx.msk [tilespmem:v3+s3+$0x0], $0xffff  }
0x67: {  	v4 =	vld.idx.msk [tilespmem:v4+s3+$0x0], $0xffff  }
0x68: {  	v5 =	vld.idx.msk [tilespmem:v5+s3+$0x0], $0xffff  }
0x69: {  	v6 =	vld.idx.msk [tilespmem:v6+s3+$0x0], $0xffff  }
0x6a: {  	v7 =	vld.idx.msk [tilespmem:v7+s3+$0x0], $0xffff  }
0x6b: {  	v8 =	vld.idx.msk [tilespmem:v8+s3+$0x0], $0xffff;
	[tilespmem:v0+s16+$0x0 ss:$0x1] =	vst.idx.msk $0xffff, v2;
	s16 =	smov.u32 s17;
	s17 =	smov.u32 s18;
	s18 =	smov.u32 s19  }
0x6c: {  	s19 =	smov.u32 s20;
	s20 =	smov.u32 s21;
	s21 =	smov.u32 s22;
	v9 =	vld.idx.msk [tilespmem:v9+s3+$0x0], $0xffff;
	[tilespmem:v0+s16+$0xFFFFFFF0 ss:$0x1] =	vst.idx.msk $0xffff, v3  }
0x6d: {  	s22 =	smov.u32 s23;
	[tilespmem:v0+s17+$0xFFFFFFE0 ss:$0x1] =	vst.idx.msk $0xffff, v4;
	v2 =	vld.idx.msk [tilespmem:v1+s16+$0x30 ss:$0x1], $0xffff  }
0x6e: {  	[tilespmem:v0+s18+$0xFFFFFFD0 ss:$0x1] =	vst.idx.msk $0xffff, v5;
	v3 =	vld.idx.msk [tilespmem:v1+s17+$0x20 ss:$0x1], $0xffff  }
.Ltmp0:
0x6f: {  	[tilespmem:v0+s19+$0xFFFFFFC0 ss:$0x1] =	vst.idx.msk $0xffff, v6;
	v4 =	vld.idx.msk [tilespmem:v1+s18+$0x10 ss:$0x1], $0xffff;
	(pc) =	sbr.rel @p1 .LBB2_3-.Ltmp0, $4  }
0x70: {  	[tilespmem:v0+s20+$0xFFFFFFB0 ss:$0x1] =	vst.idx.msk $0xffff, v7;
	v5 =	vld.idx.msk [tilespmem:v1+s19+$0x0 ss:$0x1], $0xffff  }
0x71: {  	[tilespmem:v0+s21+$0xFFFFFFA0 ss:$0x1] =	vst.idx.msk $0xffff, v8;
	v6 =	vld.idx.msk [tilespmem:v1+s20+$0xFFFFFFF0 ss:$0x1], $0xffff  }
0x72: {  	[tilespmem:v0+s22+$0xFFFFFF90 ss:$0x1] =	vst.idx.msk $0xffff, v9;
	v7 =	vld.idx.msk [tilespmem:v1+s21+$0xFFFFFFE0 ss:$0x1], $0xffff  }
0x73: {  	s23 =	sshra.s32 s24, $0x2;
	s24 =	sadd.s32 $0x200, s24;
	v8 =	vld.idx.msk [tilespmem:v1+s22+$0xFFFFFFD0 ss:$0x1], $0xffff  }
0x74: {  	_ =	sdelay $0x3  }
0x75: {  	v9 =	vld.idx.msk [tilespmem:v1+s23+$0xFFFFFFC0 ss:$0x1], $0xffff;
	_ =	sdelay $0x7  }
0x76: {  	v9 =	vld.idx.msk [tilespmem:v9+s3+$0x0], $0xffff;
	_ =	sdelay $0x4  }
0x77: {  	[tilespmem:v0+s23+$0xFFFFFF90 ss:$0x1] =	vst.idx.msk $0xffff, v9  }
0x78: {  	v9 =	vld.idx.msk [tilespmem:v1+s23+$0xFFFFFFD0 ss:$0x1], $0xffff;
	_ =	sdelay $0x5  }
0x79: {  	v8 =	vld.idx.msk [tilespmem:v8+s3+$0x0], $0xffff;
	_ =	sdelay $0x1  }
0x7a: {  	v9 =	vld.idx.msk [tilespmem:v9+s3+$0x0], $0xffff;
	_ =	sdelay $0x2  }
0x7b: {  	[tilespmem:v0+s22+$0xFFFFFFA0 ss:$0x1] =	vst.idx.msk $0xffff, v8  }
0x7c: {  	v8 =	vld.idx.msk [tilespmem:v1+s22+$0xFFFFFFE0 ss:$0x1], $0xffff  }
0x7d: {  	[tilespmem:v0+s23+$0xFFFFFFA0 ss:$0x1] =	vst.idx.msk $0xffff, v9  }
0x7e: {  	v9 =	vld.idx.msk [tilespmem:v1+s23+$0xFFFFFFE0 ss:$0x1], $0xffff;
	_ =	sdelay $0x4  }
0x7f: {  	v7 =	vld.idx.msk [tilespmem:v7+s3+$0x0], $0xffff  }
0x80: {  	v8 =	vld.idx.msk [tilespmem:v8+s3+$0x0], $0xffff;
	_ =	sdelay $0x1  }
0x81: {  	v9 =	vld.idx.msk [tilespmem:v9+s3+$0x0], $0xffff;
	_ =	sdelay $0x1  }
0x82: {  	[tilespmem:v0+s21+$0xFFFFFFB0 ss:$0x1] =	vst.idx.msk $0xffff, v7  }
0x83: {  	v7 =	vld.idx.msk [tilespmem:v1+s21+$0xFFFFFFF0 ss:$0x1], $0xffff;
	[tilespmem:v0+s22+$0xFFFFFFB0 ss:$0x1] =	vst.idx.msk $0xffff, v8  }
0x84: {  	v8 =	vld.idx.msk [tilespmem:v1+s22+$0xFFFFFFF0 ss:$0x1], $0xffff  }
0x85: {  	[tilespmem:v0+s23+$0xFFFFFFB0 ss:$0x1] =	vst.idx.msk $0xffff, v9  }
0x86: {  	v9 =	vld.idx.msk [tilespmem:v1+s23+$0xFFFFFFF0 ss:$0x1], $0xffff;
	_ =	sdelay $0x3  }
0x87: {  	v6 =	vld.idx.msk [tilespmem:v6+s3+$0x0], $0xffff  }
0x88: {  	v7 =	vld.idx.msk [tilespmem:v7+s3+$0x0], $0xffff  }
0x89: {  	v8 =	vld.idx.msk [tilespmem:v8+s3+$0x0], $0xffff;
	_ =	sdelay $0x1  }
0x8a: {  	v9 =	vld.idx.msk [tilespmem:v9+s3+$0x0], $0xffff  }
0x8b: {  	[tilespmem:v0+s20+$0xFFFFFFC0 ss:$0x1] =	vst.idx.msk $0xffff, v6  }
0x8c: {  	v6 =	vld.idx.msk [tilespmem:v1+s20+$0x0 ss:$0x1], $0xffff;
	[tilespmem:v0+s21+$0xFFFFFFC0 ss:$0x1] =	vst.idx.msk $0xffff, v7  }
0x8d: {  	v7 =	vld.idx.msk [tilespmem:v1+s21+$0x0 ss:$0x1], $0xffff;
	[tilespmem:v0+s22+$0xFFFFFFC0 ss:$0x1] =	vst.idx.msk $0xffff, v8  }
0x8e: {  	v8 =	vld.idx.msk [tilespmem:v1+s22+$0x0 ss:$0x1], $0xffff  }
0x8f: {  	[tilespmem:v0+s23+$0xFFFFFFC0 ss:$0x1] =	vst.idx.msk $0xffff, v9  }
0x90: {  	v9 =	vld.idx.msk [tilespmem:v1+s23+$0x0 ss:$0x1], $0xffff;
	_ =	sdelay $0x2  }
0x91: {  	v5 =	vld.idx.msk [tilespmem:v5+s3+$0x0], $0xffff  }
0x92: {  	v6 =	vld.idx.msk [tilespmem:v6+s3+$0x0], $0xffff  }
0x93: {  	v7 =	vld.idx.msk [tilespmem:v7+s3+$0x0], $0xffff  }
0x94: {  	v8 =	vld.idx.msk [tilespmem:v8+s3+$0x0], $0xffff;
	_ =	sdelay $0x1  }
0x95: {  	[tilespmem:v0+s19+$0xFFFFFFD0 ss:$0x1] =	vst.idx.msk $0xffff, v5;
	v9 =	vld.idx.msk [tilespmem:v9+s3+$0x0], $0xffff  }
0x96: {  	v5 =	vld.idx.msk [tilespmem:v1+s19+$0x10 ss:$0x1], $0xffff;
	[tilespmem:v0+s20+$0xFFFFFFD0 ss:$0x1] =	vst.idx.msk $0xffff, v6  }
0x97: {  	v6 =	vld.idx.msk [tilespmem:v1+s20+$0x10 ss:$0x1], $0xffff;
	[tilespmem:v0+s21+$0xFFFFFFD0 ss:$0x1] =	vst.idx.msk $0xffff, v7  }
0x98: {  	v7 =	vld.idx.msk [tilespmem:v1+s21+$0x10 ss:$0x1], $0xffff;
	[tilespmem:v0+s22+$0xFFFFFFD0 ss:$0x1] =	vst.idx.msk $0xffff, v8  }
0x99: {  	v8 =	vld.idx.msk [tilespmem:v1+s22+$0x10 ss:$0x1], $0xffff  }
0x9a: {  	[tilespmem:v0+s23+$0xFFFFFFD0 ss:$0x1] =	vst.idx.msk $0xffff, v9  }
0x9b: {  	v9 =	vld.idx.msk [tilespmem:v1+s23+$0x10 ss:$0x1], $0xffff;
	_ =	sdelay $0x1  }
0x9c: {  	v3 =	vld.idx.msk [tilespmem:v3+s3+$0x0], $0xffff  }
0x9d: {  	v5 =	vld.idx.msk [tilespmem:v5+s3+$0x0], $0xffff  }
0x9e: {  	v6 =	vld.idx.msk [tilespmem:v6+s3+$0x0], $0xffff  }
0x9f: {  	v7 =	vld.idx.msk [tilespmem:v7+s3+$0x0], $0xffff  }
0xa0: {  	v8 =	vld.idx.msk [tilespmem:v8+s3+$0x0], $0xffff  }
0xa1: {  	v4 =	vld.idx.msk [tilespmem:v4+s3+$0x0], $0xffff  }
0xa2: {  	[tilespmem:v0+s19+$0xFFFFFFE0 ss:$0x1] =	vst.idx.msk $0xffff, v5;
	v58 =	vld.idx.msk [tilespmem:v9+s3+$0x0], $0xffff  }
0xa3: {  	v5 =	vld.idx.msk [tilespmem:v1+s19+$0x20 ss:$0x1], $0xffff;
	[tilespmem:v0+s20+$0xFFFFFFE0 ss:$0x1] =	vst.idx.msk $0xffff, v6  }
0xa4: {  	v6 =	vld.idx.msk [tilespmem:v1+s20+$0x20 ss:$0x1], $0xffff;
	[tilespmem:v0+s21+$0xFFFFFFE0 ss:$0x1] =	vst.idx.msk $0xffff, v7  }
0xa5: {  	v7 =	vld.idx.msk [tilespmem:v1+s21+$0x20 ss:$0x1], $0xffff;
	[tilespmem:v0+s22+$0xFFFFFFE0 ss:$0x1] =	vst.idx.msk $0xffff, v8  }
0xa6: {  	[tilespmem:v0+s18+$0xFFFFFFE0 ss:$0x1] =	vst.idx.msk $0xffff, v4;
	v8 =	vld.idx.msk [tilespmem:v1+s22+$0x20 ss:$0x1], $0xffff  }
0xa7: {  	v59 =	vld.idx.msk [tilespmem:v1+s18+$0x20 ss:$0x1], $0xffff;
	[tilespmem:v0+s23+$0xFFFFFFE0 ss:$0x1] =	vst.idx.msk $0xffff, v58  }
0xa8: {  	v4 =	vld.idx.msk [tilespmem:v1+s23+$0x20 ss:$0x1], $0xffff  }
0xa9: {  	[tilespmem:v0+s17+$0xFFFFFFF0 ss:$0x1] =	vst.idx.msk $0xffff, v3  }
0xaa: {  	v3 =	vld.idx.msk [tilespmem:v1+s17+$0x30 ss:$0x1], $0xffff  }
0xab: {  	v5 =	vld.idx.msk [tilespmem:v5+s3+$0x0], $0xffff  }
0xac: {  	v6 =	vld.idx.msk [tilespmem:v6+s3+$0x0], $0xffff  }
0xad: {  	v7 =	vld.idx.msk [tilespmem:v7+s3+$0x0], $0xffff  }
0xae: {  	v8 =	vld.idx.msk [tilespmem:v8+s3+$0x0], $0xffff  }
0xaf: {  	v9 =	vld.idx.msk [tilespmem:v59+s3+$0x0], $0xffff  }
0xb0: {  	[tilespmem:v0+s19+$0xFFFFFFF0 ss:$0x1] =	vst.idx.msk $0xffff, v5;
	v4 =	vld.idx.msk [tilespmem:v4+s3+$0x0], $0xffff  }
0xb1: {  	v5 =	vld.idx.msk [tilespmem:v1+s19+$0x30 ss:$0x1], $0xffff;
	[tilespmem:v0+s20+$0xFFFFFFF0 ss:$0x1] =	vst.idx.msk $0xffff, v6  }
0xb2: {  	v6 =	vld.idx.msk [tilespmem:v1+s20+$0x30 ss:$0x1], $0xffff;
	[tilespmem:v0+s21+$0xFFFFFFF0 ss:$0x1] =	vst.idx.msk $0xffff, v7  }
0xb3: {  	v7 =	vld.idx.msk [tilespmem:v1+s21+$0x30 ss:$0x1], $0xffff;
	[tilespmem:v0+s22+$0xFFFFFFF0 ss:$0x1] =	vst.idx.msk $0xffff, v8  }
0xb4: {  	v8 =	vld.idx.msk [tilespmem:v1+s22+$0x30 ss:$0x1], $0xffff;
	[tilespmem:v0+s18+$0xFFFFFFF0 ss:$0x1] =	vst.idx.msk $0xffff, v9  }
0xb5: {  	v9 =	vld.idx.msk [tilespmem:v1+s18+$0x30 ss:$0x1], $0xffff;
	[tilespmem:v0+s23+$0xFFFFFFF0 ss:$0x1] =	vst.idx.msk $0xffff, v4  }
0xb6: {  	v60 =	vld.idx.msk [tilespmem:v1+s23+$0x30 ss:$0x1], $0xffff  }
0xb7: {  	v2 =	vld.idx.msk [tilespmem:v2+s3+$0x0], $0xffff  }
0xb8: {  	v3 =	vld.idx.msk [tilespmem:v3+s3+$0x0], $0xffff  }
0xb9: {  	v5 =	vld.idx.msk [tilespmem:v5+s3+$0x0], $0xffff  }
0xba: {  	v6 =	vld.idx.msk [tilespmem:v6+s3+$0x0], $0xffff  }
0xbb: {  	v62 =	vld.idx.msk [tilespmem:v7+s3+$0x0], $0xffff  }
0xbc: {  	[tilespmem:v0+s16+$0x0 ss:$0x1] =	vst.idx.msk $0xffff, v2;
	v63 =	vld.idx.msk [tilespmem:v8+s3+$0x0], $0xffff  }
0xbd: {  	[tilespmem:v0+s17+$0x0 ss:$0x1] =	vst.idx.msk $0xffff, v3;
	v61 =	vld.idx.msk [tilespmem:v9+s3+$0x0], $0xffff  }
0xbe: {  	[tilespmem:v0+s19+$0x0 ss:$0x1] =	vst.idx.msk $0xffff, v5;
	v1 =	vld.idx.msk [tilespmem:v60+s3+$0x0], $0xffff  }
0xbf: {  	[tilespmem:v0+s20+$0x0 ss:$0x1] =	vst.idx.msk $0xffff, v6  }
0xc0: {  	s30 =	smul.u32 $0x19000, s14;
	p1 =	sne.s32 s15, $0x4;
	[tilespmem:v0+s21+$0x0 ss:$0x1] =	vst.idx.msk $0xffff, v62  }
.Ltmp1:
0xc1: {  	[tilespmem:v0+s22+$0x0 ss:$0x1] =	vst.idx.msk $0xffff, v63;
	(pc) =	sbr.rel @p1 .LBB2_2-.Ltmp1, $4  }
0xc2: {  	s13 =	sshll.u32 s13, $0x7;
	s16 =	sshrl.u32 s30, $0x2;
	[tilespmem:v0+s18+$0x0 ss:$0x1] =	vst.idx.msk $0xffff, v61  }
0xc3: {  	s31 =	sadd.s32 $0x3, s14;
	s13 =	sadd.s32 s13, s5;
	s16 =	sadd.s32 $0xC880, s16;
	[tilespmem:v0+s23+$0x0 ss:$0x1] =	vst.idx.msk $0xffff, v1  }
0xc4: {  	[hbm4b:s13+s7] =	stream.strided.scatter [tilespmem:s16], [sflag:s31], $0x6400, s8, s7, $0x38;
	[tilespmem:$0x19080] =	vst v63  }
0xc5: {  	p0 =	por !p0, !p0;
	s13 =	smov.u32 s15  }
0xc6: {  	s12 =	sadd.s32 $0x1, s12  }
0xc7: {  	_ =	swait.ge [sflag:s10], $0x6400;
	p0 =	sne.s32 s12, s6  }
.Ltmp2:
0xc8: {  	[sflag:s10] =	ssyncset.done $0x0;
	(pc) =	sbr.rel @p0 .LBB2_1-.Ltmp2, $4  }
0xc9: {  	[sflag:s10] =	ssyncadd.s32 $0xFFFF9C00  }
0xca: {  	_ =	swait.ge [sflag:s11], $0x6400  }
0xcb: {  	[sflag:s11] =	ssyncset.done $0x0  }
0xcc: {  	[sflag:s11] =	ssyncadd.s32 $0xFFFF9C00  }
0xcd: {  	_ =	sfence.sel $0x180000  }
0xce: {  	[bflag:$0x0] =	sbarrier.arrive $0xFFFF  }
0xcf: {  	p0 =	sne.s32 s2, $0x0;
	_ =	strace $0x90000047  }
0xd0: {  	s0 =	sadd.s32 @!p0 $0x100000, s0;
	[bflag:$0x2] =	sbarrier.arrive $0xFFFF  }
0xd1: {  	[sflag:s0] =	ssyncadd.tile.s32 @!p0 $0x1;
	_ =	shalt  }
.Lfunc_end2:
_tile_overlayer_lowered:
.L_overlay_start_2:
0xd2: {  	(tag) =	ssettag $0x2  }
0xd3: {  	s0 =	rddreg [dreg:$0x0];
	s2 =	stileid.u32  }
0xd4: {  	s1 =	rddreg [dreg:$0x1];
	p0 =	sne.s32 s2, $0x0  }
0xd5: {  	s3 =	rddreg [dreg:$0x2];
	[bflag:$0x3] =	sbarrier.arrive $0xFFFF;
	s2 =	simm.s32 @!p0 $0x1C05  }
0xd6: {  	[timem:s3], [sflag:s2] =	dma.local @!p0 [hbm:s0], s1  }
0xd7: {  	s0 =	simm.s32 @!p0 $0x5  }
0xd8: {  	_ =	swait.ge @!p0 [sflag:s0], s1  }
0xd9: {  	s1 =	ssub.s32 @!p0 $0x0, s1;
	[sflag:s0] =	ssyncset.done @!p0 $0x0  }
0xda: {  	[sflag:s0] =	ssyncadd.s32 @!p0 s1  }
0xdb: {  	[bflag:$0x3] =	sbarrier.arrive $0xFFFF  }
0xdc: {  	_ =	shalt  }

</sc_bundles>
